<compile_context>
chip_gen: v7x
topology: tpu7x:2x2x1
jax: 0.10.2.dev20260603
libtpu: 0.0.44.dev20260713+nightly
codegen_flags: <defaults>
</compile_context>

<pallas_src>
import functools

import jax
import jax.numpy as jnp
from jax import lax
from jax.experimental import pallas as pl
from jax.experimental.pallas import tpu as pltpu
from jax.experimental.pallas import tpu_sc as plsc

N_VOTERS = 32
N_COLS = 1_000_000
HALF = N_VOTERS // 2
LANES = 16

NUM_CORES = 2
NUM_SUBCORES = 16
NW = NUM_CORES * NUM_SUBCORES

BLK_TC = 16384
BLK_SC = 3072
MAX_K = 4
SC_BLOCKS = NW * MAX_K
SC_COLS = SC_BLOCKS * BLK_SC
SC_TC_BLOCKS = SC_COLS // BLK_TC
N_COLS_TC = N_COLS - SC_COLS


def _sc_body(in_hbm, out_hbm, in_buf, out_buf):
    wid = lax.axis_index("s") * NUM_CORES + lax.axis_index("c")

    def block_step(k, _):
        base = (k * NW + wid) * BLK_SC
        pltpu.sync_copy(in_hbm.at[:, pl.ds(base, BLK_SC)], in_buf)

        def col_step(j, _):
            off = j * LANES
            acc = in_buf[0, pl.ds(off, LANES)]
            for i in range(1, N_VOTERS):
                acc = acc + in_buf[i, pl.ds(off, LANES)]
            out_buf[pl.ds(off, LANES)] = jnp.where(acc > HALF, 1, 0)
            return 0

        lax.fori_loop(0, BLK_SC // LANES, col_step, 0)
        pltpu.sync_copy(out_buf, out_hbm.at[pl.ds(base, BLK_SC)])
        return 0

    lax.fori_loop(0, MAX_K, block_step, 0)


def _sc_vote(inputs):
    mesh = plsc.VectorSubcoreMesh(core_axis_name="c", subcore_axis_name="s")
    f = pl.kernel(
        _sc_body,
        out_type=jax.ShapeDtypeStruct((SC_COLS,), jnp.int32),
        mesh=mesh,
        scratch_types=[
            pltpu.VMEM((N_VOTERS, BLK_SC), jnp.int32),
            pltpu.VMEM((BLK_SC,), jnp.int32),
        ],
        compiler_params=pltpu.CompilerParams(use_tc_tiling_on_sc=True),
    )
    return f(inputs)


def _tc_body(in_ref, out_ref):
    s = jnp.sum(in_ref[...], axis=0)
    out_ref[...] = (s > HALF).astype(jnp.int32)


def _tc_vote(inputs):
    grid = -(-N_COLS_TC // BLK_TC)
    return pl.pallas_call(
        _tc_body,
        grid=(grid,),
        in_specs=[
            pl.BlockSpec((N_VOTERS, BLK_TC), lambda i: (0, i + SC_TC_BLOCKS))
        ],
        out_specs=pl.BlockSpec((BLK_TC,), lambda i: (i,)),
        out_shape=jax.ShapeDtypeStruct((N_COLS_TC,), jnp.int32),
    )(inputs)


@jax.jit
def kernel(inputs):
    sc_out = _sc_vote(inputs)
    tc_out = _tc_vote(inputs)
    return jnp.concatenate([sc_out, tc_out])

# --- scband reference (transcript-rebuilt; emitter-appended) ---
"""Pipeline reference for scband-hard-binary-vote-36515811950592 (READ-ONLY COPY).

The authoritative reference and input builder live on the scoring server;
editing this copy changes nothing except your own understanding.
"""

import jax, jax.numpy as jnp
import numpy as np

NUM_CLASSES = 2  # binary vote; bincount length inferred from max label + 1


def setup_inputs(seed: int = 0) -> dict:
    key = jax.random.key(seed)
    # inputs: [n_voters, batch] integer class votes in [0, NUM_CLASSES)
    inputs = jax.random.randint(key, (32, 1000000), 0, 2, dtype=jnp.int32)
    return {"inputs": inputs}


def reference(inputs):
    # Faithful translation of HardBinaryVote.call:
    #   inputs = K.transpose(inputs)                       -> [batch, n_voters]
    #   map_fn over rows: argmax(bincount(z))              -> majority vote per sample
    # vote_weights is None in this configuration (unweighted bincount).
    t = jnp.transpose(inputs)  # [batch, n_voters]
    counts = jax.vmap(lambda z: jnp.bincount(z, length=NUM_CLASSES))(t)  # [batch, NUM_CLASSES]
    out = jnp.argmax(counts, axis=1).astype(jnp.int32)  # [batch]
    return out

if __name__ == "__main__":
    import jax
    _d = setup_inputs()
    print(jax.jit(kernel)(*tuple(_d.values())))

</pallas_src>

<mosaic_0001>
#map = affine_map<(d0, d1) -> (0, 0)>
#map1 = affine_map<(d0, d1) -> (0)>
module attributes {stable_mosaic.version = 14 : i64} {
  func.func @_sc_body(%arg0: i32, %arg1: i32, %arg2: memref<32x1000000xi32, #tpu.memory_space<hbm>>, %arg3: memref<393216xi32, #tpu.memory_space<hbm>>, %arg4: memref<32x3072xi32, #tpu.memory_space<vmem>>, %arg5: memref<3072xi32, #tpu.memory_space<vmem>>) attributes {dimension_semantics = [#tpu.dimension_semantics<core_parallel>, #tpu.dimension_semantics<subcore_parallel>], iteration_bounds = array<i64: 2, 16>, scalar_prefetch = 0 : i64, scratch_operands = 2 : i64, tpu.core_type = #tpu.core_type<sc_vector_subcore>, window_params = [{transform_indices = #map}, {transform_indices = #map1}]} {
    %mul3A = arith.constant 2 : i32
    %mul3A_0 = arith.muli %arg1, %mul3A : i32
    %add3A = arith.addi %mul3A_0, %arg0 : i32
    %scan3A = arith.constant 0 : i32
    %scan3A_1 = arith.constant 0 : i32
    %scan3A_2 = arith.constant 4 : i32
    %scan3A_3 = arith.addi %scan3A_1, %scan3A_2 : i32
    %scan3A_4 = arith.constant 1 : i32
    %scan3A_5 = scf.for %scan3A_7 = %scan3A_1 to %scan3A_3 step %scan3A_4 iter_args(%scan3A_8 = %scan3A) -> (i32)  : i32 {
      %mul3A_9 = arith.constant 32 : i32
      %mul3A_10 = arith.muli %scan3A_7, %mul3A_9 : i32
      %add3A_11 = arith.addi %mul3A_10, %add3A : i32
      %mul3A_12 = arith.constant 3072 : i32
      %mul3A_13 = arith.muli %add3A_11, %mul3A_12 : i32
      "tpu.region"() ({
        %run_scoped3A = tpu.sem_alloc : memref<!tpu.dma_semaphore, #tpu.memory_space<semaphore_mem>>
        %dma_start3A = arith.constant 0 : i32
        %dma_start3A_22 = tpu.memref_slice %arg2[%dma_start3A, %mul3A_13] : memref<32x1000000xi32, #tpu.memory_space<hbm>> -> memref<32x3072xi32, #tpu.memory_space<hbm>>
        %dma_start3A_23 = arith.constant 0 : i32
        %dma_start3A_24 = tpu.memref_slice %arg2[%dma_start3A_23, %mul3A_13] : memref<32x1000000xi32, #tpu.memory_space<hbm>> -> memref<32x3072xi32, #tpu.memory_space<hbm>>
        tpu.enqueue_dma source(%dma_start3A_24 : memref<32x3072xi32, #tpu.memory_space<hbm>>) target(%arg4 : memref<32x3072xi32, #tpu.memory_space<vmem>>) target_semaphore(%run_scoped3A : memref<!tpu.dma_semaphore, #tpu.memory_space<semaphore_mem>>)
        %dma_wait3A = arith.constant 0 : i32
        %dma_wait3A_25 = tpu.memref_slice %arg2[%dma_wait3A, %mul3A_13] : memref<32x1000000xi32, #tpu.memory_space<hbm>> -> memref<32x3072xi32, #tpu.memory_space<hbm>>
        %dma_wait3A_26 = arith.constant 0 : i32
        %dma_wait3A_27 = tpu.memref_slice %arg2[%dma_wait3A_26, %mul3A_13] : memref<32x1000000xi32, #tpu.memory_space<hbm>> -> memref<32x3072xi32, #tpu.memory_space<hbm>>
        tpu.wait_dma2 semaphore(%run_scoped3A : memref<!tpu.dma_semaphore, #tpu.memory_space<semaphore_mem>>) src(%dma_wait3A_27 : memref<32x3072xi32, #tpu.memory_space<hbm>>) dst(%arg4 : memref<32x3072xi32, #tpu.memory_space<vmem>>)
        tpu.yield
      }) : () -> ()
      %scan3A_14 = arith.constant 0 : i32
      %scan3A_15 = arith.constant 0 : i32
      %scan3A_16 = arith.constant 192 : i32
      %scan3A_17 = arith.addi %scan3A_15, %scan3A_16 : i32
      %scan3A_18 = arith.constant 1 : i32
      %scan3A_19 = scf.for %scan3A_22 = %scan3A_15 to %scan3A_17 step %scan3A_18 iter_args(%scan3A_23 = %scan3A_14) -> (i32)  : i32 {
        %mul3A_24 = arith.constant 16 : i32
        %mul3A_25 = arith.muli %scan3A_22, %mul3A_24 : i32
        %get3A = arith.constant 0 : i32
        %get3A_26 = arith.index_cast %get3A : i32 to index
        %get3A_27 = arith.index_cast %mul3A_25 : i32 to index
        %get3A_28 = tpu.vector_load %arg4[%get3A_26, %get3A_27] {strides = array<i32>} : memref<32x3072xi32, #tpu.memory_space<vmem>>, vector<1x16xi32>,
        %get3A_29 = vector.shape_cast %get3A_28 : vector<1x16xi32> to vector<16xi32>
        %get3A_30 = arith.constant 1 : i32
        %get3A_31 = arith.index_cast %get3A_30 : i32 to index
        %get3A_32 = arith.index_cast %mul3A_25 : i32 to index
        %get3A_33 = tpu.vector_load %arg4[%get3A_31, %get3A_32] {strides = array<i32>} : memref<32x3072xi32, #tpu.memory_space<vmem>>, vector<1x16xi32>,
        %get3A_34 = vector.shape_cast %get3A_33 : vector<1x16xi32> to vector<16xi32>
        %add3A_35 = arith.addi %get3A_29, %get3A_34 : vector<16xi32>
        %get3A_36 = arith.constant 2 : i32
        %get3A_37 = arith.index_cast %get3A_36 : i32 to index
        %get3A_38 = arith.index_cast %mul3A_25 : i32 to index
        %get3A_39 = tpu.vector_load %arg4[%get3A_37, %get3A_38] {strides = array<i32>} : memref<32x3072xi32, #tpu.memory_space<vmem>>, vector<1x16xi32>,
        %get3A_40 = vector.shape_cast %get3A_39 : vector<1x16xi32> to vector<16xi32>
        %add3A_41 = arith.addi %add3A_35, %get3A_40 : vector<16xi32>
        %get3A_42 = arith.constant 3 : i32
        %get3A_43 = arith.index_cast %get3A_42 : i32 to index
        %get3A_44 = arith.index_cast %mul3A_25 : i32 to index
        %get3A_45 = tpu.vector_load %arg4[%get3A_43, %get3A_44] {strides = array<i32>} : memref<32x3072xi32, #tpu.memory_space<vmem>>, vector<1x16xi32>,
        %get3A_46 = vector.shape_cast %get3A_45 : vector<1x16xi32> to vector<16xi32>
        %add3A_47 = arith.addi %add3A_41, %get3A_46 : vector<16xi32>
        %get3A_48 = arith.constant 4 : i32
        %get3A_49 = arith.index_cast %get3A_48 : i32 to index
        %get3A_50 = arith.index_cast %mul3A_25 : i32 to index
        %get3A_51 = tpu.vector_load %arg4[%get3A_49, %get3A_50] {strides = array<i32>} : memref<32x3072xi32, #tpu.memory_space<vmem>>, vector<1x16xi32>,
        %get3A_52 = vector.shape_cast %get3A_51 : vector<1x16xi32> to vector<16xi32>
        %add3A_53 = arith.addi %add3A_47, %get3A_52 : vector<16xi32>
        %get3A_54 = arith.constant 5 : i32
        %get3A_55 = arith.index_cast %get3A_54 : i32 to index
        %get3A_56 = arith.index_cast %mul3A_25 : i32 to index
        %get3A_57 = tpu.vector_load %arg4[%get3A_55, %get3A_56] {strides = array<i32>} : memref<32x3072xi32, #tpu.memory_space<vmem>>, vector<1x16xi32>,
        %get3A_58 = vector.shape_cast %get3A_57 : vector<1x16xi32> to vector<16xi32>
        %add3A_59 = arith.addi %add3A_53, %get3A_58 : vector<16xi32>
        %get3A_60 = arith.constant 6 : i32
        %get3A_61 = arith.index_cast %get3A_60 : i32 to index
        %get3A_62 = arith.index_cast %mul3A_25 : i32 to index
        %get3A_63 = tpu.vector_load %arg4[%get3A_61, %get3A_62] {strides = array<i32>} : memref<32x3072xi32, #tpu.memory_space<vmem>>, vector<1x16xi32>,
        %get3A_64 = vector.shape_cast %get3A_63 : vector<1x16xi32> to vector<16xi32>
        %add3A_65 = arith.addi %add3A_59, %get3A_64 : vector<16xi32>
        %get3A_66 = arith.constant 7 : i32
        %get3A_67 = arith.index_cast %get3A_66 : i32 to index
        %get3A_68 = arith.index_cast %mul3A_25 : i32 to index
        %get3A_69 = tpu.vector_load %arg4[%get3A_67, %get3A_68] {strides = array<i32>} : memref<32x3072xi32, #tpu.memory_space<vmem>>, vector<1x16xi32>,
        %get3A_70 = vector.shape_cast %get3A_69 : vector<1x16xi32> to vector<16xi32>
        %add3A_71 = arith.addi %add3A_65, %get3A_70 : vector<16xi32>
        %get3A_72 = arith.constant 8 : i32
        %get3A_73 = arith.index_cast %get3A_72 : i32 to index
        %get3A_74 = arith.index_cast %mul3A_25 : i32 to index
        %get3A_75 = tpu.vector_load %arg4[%get3A_73, %get3A_74] {strides = array<i32>} : memref<32x3072xi32, #tpu.memory_space<vmem>>, vector<1x16xi32>,
        %get3A_76 = vector.shape_cast %get3A_75 : vector<1x16xi32> to vector<16xi32>
        %add3A_77 = arith.addi %add3A_71, %get3A_76 : vector<16xi32>
        %get3A_78 = arith.constant 9 : i32
        %get3A_79 = arith.index_cast %get3A_78 : i32 to index
        %get3A_80 = arith.index_cast %mul3A_25 : i32 to index
        %get3A_81 = tpu.vector_load %arg4[%get3A_79, %get3A_80] {strides = array<i32>} : memref<32x3072xi32, #tpu.memory_space<vmem>>, vector<1x16xi32>,
        %get3A_82 = vector.shape_cast %get3A_81 : vector<1x16xi32> to vector<16xi32>
        %add3A_83 = arith.addi %add3A_77, %get3A_82 : vector<16xi32>
        %get3A_84 = arith.constant 10 : i32
        %get3A_85 = arith.index_cast %get3A_84 : i32 to index
        %get3A_86 = arith.index_cast %mul3A_25 : i32 to index
        %get3A_87 = tpu.vector_load %arg4[%get3A_85, %get3A_86] {strides = array<i32>} : memref<32x3072xi32, #tpu.memory_space<vmem>>, vector<1x16xi32>,
        %get3A_88 = vector.shape_cast %get3A_87 : vector<1x16xi32> to vector<16xi32>
        %add3A_89 = arith.addi %add3A_83, %get3A_88 : vector<16xi32>
        %get3A_90 = arith.constant 11 : i32
        %get3A_91 = arith.index_cast %get3A_90 : i32 to index
        %get3A_92 = arith.index_cast %mul3A_25 : i32 to index
        %get3A_93 = tpu.vector_load %arg4[%get3A_91, %get3A_92] {strides = array<i32>} : memref<32x3072xi32, #tpu.memory_space<vmem>>, vector<1x16xi32>,
        %get3A_94 = vector.shape_cast %get3A_93 : vector<1x16xi32> to vector<16xi32>
        %add3A_95 = arith.addi %add3A_89, %get3A_94 : vector<16xi32>
        %get3A_96 = arith.constant 12 : i32
        %get3A_97 = arith.index_cast %get3A_96 : i32 to index
        %get3A_98 = arith.index_cast %mul3A_25 : i32 to index
        %get3A_99 = tpu.vector_load %arg4[%get3A_97, %get3A_98] {strides = array<i32>} : memref<32x3072xi32, #tpu.memory_space<vmem>>, vector<1x16xi32>,
        %get3A_100 = vector.shape_cast %get3A_99 : vector<1x16xi32> to vector<16xi32>
        %add3A_101 = arith.addi %add3A_95, %get3A_100 : vector<16xi32>
        %get3A_102 = arith.constant 13 : i32
        %get3A_103 = arith.index_cast %get3A_102 : i32 to index
        %get3A_104 = arith.index_cast %mul3A_25 : i32 to index
        %get3A_105 = tpu.vector_load %arg4[%get3A_103, %get3A_104] {strides = array<i32>} : memref<32x3072xi32, #tpu.memory_space<vmem>>, vector<1x16xi32>,
        %get3A_106 = vector.shape_cast %get3A_105 : vector<1x16xi32> to vector<16xi32>
        %add3A_107 = arith.addi %add3A_101, %get3A_106 : vector<16xi32>
        %get3A_108 = arith.constant 14 : i32
        %get3A_109 = arith.index_cast %get3A_108 : i32 to index
        %get3A_110 = arith.index_cast %mul3A_25 : i32 to index
        %get3A_111 = tpu.vector_load %arg4[%get3A_109, %get3A_110] {strides = array<i32>} : memref<32x3072xi32, #tpu.memory_space<vmem>>, vector<1x16xi32>,
        %get3A_112 = vector.shape_cast %get3A_111 : vector<1x16xi32> to vector<16xi32>
        %add3A_113 = arith.addi %add3A_107, %get3A_112 : vector<16xi32>
        %get3A_114 = arith.constant 15 : i32
        %get3A_115 = arith.index_cast %get3A_114 : i32 to index
        %get3A_116 = arith.index_cast %mul3A_25 : i32 to index
        %get3A_117 = tpu.vector_load %arg4[%get3A_115, %get3A_116] {strides = array<i32>} : memref<32x3072xi32, #tpu.memory_space<vmem>>, vector<1x16xi32>,
        %get3A_118 = vector.shape_cast %get3A_117 : vector<1x16xi32> to vector<16xi32>
        %add3A_119 = arith.addi %add3A_113, %get3A_118 : vector<16xi32>
        %get3A_120 = arith.constant 16 : i32
        %get3A_121 = arith.index_cast %get3A_120 : i32 to index
        %get3A_122 = arith.index_cast %mul3A_25 : i32 to index
        %get3A_123 = tpu.vector_load %arg4[%get3A_121, %get3A_122] {strides = array<i32>} : memref<32x3072xi32, #tpu.memory_space<vmem>>, vector<1x16xi32>,
        %get3A_124 = vector.shape_cast %get3A_123 : vector<1x16xi32> to vector<16xi32>
        %add3A_125 = arith.addi %add3A_119, %get3A_124 : vector<16xi32>
        %get3A_126 = arith.constant 17 : i32
        %get3A_127 = arith.index_cast %get3A_126 : i32 to index
        %get3A_128 = arith.index_cast %mul3A_25 : i32 to index
        %get3A_129 = tpu.vector_load %arg4[%get3A_127, %get3A_128] {strides = array<i32>} : memref<32x3072xi32, #tpu.memory_space<vmem>>, vector<1x16xi32>,
        %get3A_130 = vector.shape_cast %get3A_129 : vector<1x16xi32> to vector<16xi32>
        %add3A_131 = arith.addi %add3A_125, %get3A_130 : vector<16xi32>
        %get3A_132 = arith.constant 18 : i32
        %get3A_133 = arith.index_cast %get3A_132 : i32 to index
        %get3A_134 = arith.index_cast %mul3A_25 : i32 to index
        %get3A_135 = tpu.vector_load %arg4[%get3A_133, %get3A_134] {strides = array<i32>} : memref<32x3072xi32, #tpu.memory_space<vmem>>, vector<1x16xi32>,
        %get3A_136 = vector.shape_cast %get3A_135 : vector<1x16xi32> to vector<16xi32>
        %add3A_137 = arith.addi %add3A_131, %get3A_136 : vector<16xi32>
        %get3A_138 = arith.constant 19 : i32
        %get3A_139 = arith.index_cast %get3A_138 : i32 to index
        %get3A_140 = arith.index_cast %mul3A_25 : i32 to index
        %get3A_141 = tpu.vector_load %arg4[%get3A_139, %get3A_140] {strides = array<i32>} : memref<32x3072xi32, #tpu.memory_space<vmem>>, vector<1x16xi32>,
        %get3A_142 = vector.shape_cast %get3A_141 : vector<1x16xi32> to vector<16xi32>
        %add3A_143 = arith.addi %add3A_137, %get3A_142 : vector<16xi32>
        %get3A_144 = arith.constant 20 : i32
        %get3A_145 = arith.index_cast %get3A_144 : i32 to index
        %get3A_146 = arith.index_cast %mul3A_25 : i32 to index
        %get3A_147 = tpu.vector_load %arg4[%get3A_145, %get3A_146] {strides = array<i32>} : memref<32x3072xi32, #tpu.memory_space<vmem>>, vector<1x16xi32>,
        %get3A_148 = vector.shape_cast %get3A_147 : vector<1x16xi32> to vector<16xi32>
        %add3A_149 = arith.addi %add3A_143, %get3A_148 : vector<16xi32>
        %get3A_150 = arith.constant 21 : i32
        %get3A_151 = arith.index_cast %get3A_150 : i32 to index
        %get3A_152 = arith.index_cast %mul3A_25 : i32 to index
        %get3A_153 = tpu.vector_load %arg4[%get3A_151, %get3A_152] {strides = array<i32>} : memref<32x3072xi32, #tpu.memory_space<vmem>>, vector<1x16xi32>,
        %get3A_154 = vector.shape_cast %get3A_153 : vector<1x16xi32> to vector<16xi32>
        %add3A_155 = arith.addi %add3A_149, %get3A_154 : vector<16xi32>
        %get3A_156 = arith.constant 22 : i32
        %get3A_157 = arith.index_cast %get3A_156 : i32 to index
        %get3A_158 = arith.index_cast %mul3A_25 : i32 to index
        %get3A_159 = tpu.vector_load %arg4[%get3A_157, %get3A_158] {strides = array<i32>} : memref<32x3072xi32, #tpu.memory_space<vmem>>, vector<1x16xi32>,
        %get3A_160 = vector.shape_cast %get3A_159 : vector<1x16xi32> to vector<16xi32>
        %add3A_161 = arith.addi %add3A_155, %get3A_160 : vector<16xi32>
        %get3A_162 = arith.constant 23 : i32
        %get3A_163 = arith.index_cast %get3A_162 : i32 to index
        %get3A_164 = arith.index_cast %mul3A_25 : i32 to index
        %get3A_165 = tpu.vector_load %arg4[%get3A_163, %get3A_164] {strides = array<i32>} : memref<32x3072xi32, #tpu.memory_space<vmem>>, vector<1x16xi32>,
        %get3A_166 = vector.shape_cast %get3A_165 : vector<1x16xi32> to vector<16xi32>
        %add3A_167 = arith.addi %add3A_161, %get3A_166 : vector<16xi32>
        %get3A_168 = arith.constant 24 : i32
        %get3A_169 = arith.index_cast %get3A_168 : i32 to index
        %get3A_170 = arith.index_cast %mul3A_25 : i32 to index
        %get3A_171 = tpu.vector_load %arg4[%get3A_169, %get3A_170] {strides = array<i32>} : memref<32x3072xi32, #tpu.memory_space<vmem>>, vector<1x16xi32>,
        %get3A_172 = vector.shape_cast %get3A_171 : vector<1x16xi32> to vector<16xi32>
        %add3A_173 = arith.addi %add3A_167, %get3A_172 : vector<16xi32>
        %get3A_174 = arith.constant 25 : i32
        %get3A_175 = arith.index_cast %get3A_174 : i32 to index
        %get3A_176 = arith.index_cast %mul3A_25 : i32 to index
        %get3A_177 = tpu.vector_load %arg4[%get3A_175, %get3A_176] {strides = array<i32>} : memref<32x3072xi32, #tpu.memory_space<vmem>>, vector<1x16xi32>,
        %get3A_178 = vector.shape_cast %get3A_177 : vector<1x16xi32> to vector<16xi32>
        %add3A_179 = arith.addi %add3A_173, %get3A_178 : vector<16xi32>
        %get3A_180 = arith.constant 26 : i32
        %get3A_181 = arith.index_cast %get3A_180 : i32 to index
        %get3A_182 = arith.index_cast %mul3A_25 : i32 to index
        %get3A_183 = tpu.vector_load %arg4[%get3A_181, %get3A_182] {strides = array<i32>} : memref<32x3072xi32, #tpu.memory_space<vmem>>, vector<1x16xi32>,
        %get3A_184 = vector.shape_cast %get3A_183 : vector<1x16xi32> to vector<16xi32>
        %add3A_185 = arith.addi %add3A_179, %get3A_184 : vector<16xi32>
        %get3A_186 = arith.constant 27 : i32
        %get3A_187 = arith.index_cast %get3A_186 : i32 to index
        %get3A_188 = arith.index_cast %mul3A_25 : i32 to index
        %get3A_189 = tpu.vector_load %arg4[%get3A_187, %get3A_188] {strides = array<i32>} : memref<32x3072xi32, #tpu.memory_space<vmem>>, vector<1x16xi32>,
        %get3A_190 = vector.shape_cast %get3A_189 : vector<1x16xi32> to vector<16xi32>
        %add3A_191 = arith.addi %add3A_185, %get3A_190 : vector<16xi32>
        %get3A_192 = arith.constant 28 : i32
        %get3A_193 = arith.index_cast %get3A_192 : i32 to index
        %get3A_194 = arith.index_cast %mul3A_25 : i32 to index
        %get3A_195 = tpu.vector_load %arg4[%get3A_193, %get3A_194] {strides = array<i32>} : memref<32x3072xi32, #tpu.memory_space<vmem>>, vector<1x16xi32>,
        %get3A_196 = vector.shape_cast %get3A_195 : vector<1x16xi32> to vector<16xi32>
        %add3A_197 = arith.addi %add3A_191, %get3A_196 : vector<16xi32>
        %get3A_198 = arith.constant 29 : i32
        %get3A_199 = arith.index_cast %get3A_198 : i32 to index
        %get3A_200 = arith.index_cast %mul3A_25 : i32 to index
        %get3A_201 = tpu.vector_load %arg4[%get3A_199, %get3A_200] {strides = array<i32>} : memref<32x3072xi32, #tpu.memory_space<vmem>>, vector<1x16xi32>,
        %get3A_202 = vector.shape_cast %get3A_201 : vector<1x16xi32> to vector<16xi32>
        %add3A_203 = arith.addi %add3A_197, %get3A_202 : vector<16xi32>
        %get3A_204 = arith.constant 30 : i32
        %get3A_205 = arith.index_cast %get3A_204 : i32 to index
        %get3A_206 = arith.index_cast %mul3A_25 : i32 to index
        %get3A_207 = tpu.vector_load %arg4[%get3A_205, %get3A_206] {strides = array<i32>} : memref<32x3072xi32, #tpu.memory_space<vmem>>, vector<1x16xi32>,
        %get3A_208 = vector.shape_cast %get3A_207 : vector<1x16xi32> to vector<16xi32>
        %add3A_209 = arith.addi %add3A_203, %get3A_208 : vector<16xi32>
        %get3A_210 = arith.constant 31 : i32
        %get3A_211 = arith.index_cast %get3A_210 : i32 to index
        %get3A_212 = arith.index_cast %mul3A_25 : i32 to index
        %get3A_213 = tpu.vector_load %arg4[%get3A_211, %get3A_212] {strides = array<i32>} : memref<32x3072xi32, #tpu.memory_space<vmem>>, vector<1x16xi32>,
        %get3A_214 = vector.shape_cast %get3A_213 : vector<1x16xi32> to vector<16xi32>
        %add3A_215 = arith.addi %add3A_209, %get3A_214 : vector<16xi32>
        %gt3A = arith.constant 16 : i32
        %gt3A_216 = vector.broadcast %gt3A : i32 to vector<16xi32>
        %gt3A_217 = arith.cmpi sgt, %add3A_215, %gt3A_216 : vector<16xi32>
        %jit3A = arith.constant 1 : i32
        %jit3A_218 = arith.constant 0 : i32
        %broadcast_in_dim3A = vector.broadcast %jit3A : i32 to vector<16xi32>
        %broadcast_in_dim3A_219 = vector.broadcast %jit3A_218 : i32 to vector<16xi32>
        %select_n3A = arith.select %gt3A_217, %broadcast_in_dim3A, %broadcast_in_dim3A_219 : vector<16xi1>, vector<16xi32>
        %swap3A = arith.index_cast %mul3A_25 : i32 to index
        %swap3A_220 = tpu.vector_load %arg5[%swap3A] {strides = array<i32>} : memref<3072xi32, #tpu.memory_space<vmem>>, vector<16xi32>,
        %swap3A_221 = vector.shape_cast %swap3A_220 : vector<16xi32> to vector<16xi32>
        %swap3A_222 = vector.shape_cast %select_n3A : vector<16xi32> to vector<16xi32>
        tpu.vector_store %arg5[%swap3A], %swap3A_222 {strides = array<i32>} : memref<3072xi32, #tpu.memory_space<vmem>>, vector<16xi32>,
        %scan3A_223 = arith.constant 0 : i32
        scf.yield %scan3A_223 : i32
      }
      %scan3A_20 = arith.constant 192 : i32
      "tpu.region"() ({
        %run_scoped3A = tpu.sem_alloc : memref<!tpu.dma_semaphore, #tpu.memory_space<semaphore_mem>>
        %dma_start3A = tpu.memref_slice %arg3[%mul3A_13] : memref<393216xi32, #tpu.memory_space<hbm>> -> memref<3072xi32, #tpu.memory_space<hbm>>
        %dma_start3A_22 = tpu.memref_slice %arg3[%mul3A_13] : memref<393216xi32, #tpu.memory_space<hbm>> -> memref<3072xi32, #tpu.memory_space<hbm>>
        tpu.enqueue_dma source(%arg5 : memref<3072xi32, #tpu.memory_space<vmem>>) target(%dma_start3A_22 : memref<3072xi32, #tpu.memory_space<hbm>>) target_semaphore(%run_scoped3A : memref<!tpu.dma_semaphore, #tpu.memory_space<semaphore_mem>>)
        %dma_wait3A = tpu.memref_slice %arg3[%mul3A_13] : memref<393216xi32, #tpu.memory_space<hbm>> -> memref<3072xi32, #tpu.memory_space<hbm>>
        %dma_wait3A_23 = tpu.memref_slice %arg3[%mul3A_13] : memref<393216xi32, #tpu.memory_space<hbm>> -> memref<3072xi32, #tpu.memory_space<hbm>>
        tpu.wait_dma2 semaphore(%run_scoped3A : memref<!tpu.dma_semaphore, #tpu.memory_space<semaphore_mem>>) src(%arg5 : memref<3072xi32, #tpu.memory_space<vmem>>) dst(%dma_wait3A_23 : memref<3072xi32, #tpu.memory_space<hbm>>)
        tpu.yield
      }) : () -> ()
      %scan3A_21 = arith.constant 0 : i32
      scf.yield %scan3A_21 : i32
    }
    %scan3A_6 = arith.constant 4 : i32
    return
  }
}

module attributes {stable_mosaic.version = 14 : i64} {
  func.func @_tc_body(%arg0: i32, %arg1: memref<32x16384xi32, #tpu.memory_space<vmem>>, %arg2: memref<16384xi32, #tpu.memory_space<vmem>>) attributes {dimension_semantics = [#tpu.dimension_semantics<arbitrary>], iteration_bounds = array<i64: 38>, scalar_prefetch = 0 : i64, scratch_operands = 0 : i64, tpu.core_type = #tpu.core_type<tc>, window_params = [{transform_indices = @transform_0, window_bounds = array<i64: 32, 16384>}, {transform_indices = @transform_1, window_bounds = array<i64: 16384>}]} {
    %get3A = arith.constant 0 : index
    %get3A_0 = arith.constant 0 : index
    %get3A_1 = vector.load %arg1[%get3A, %get3A_0] : memref<32x16384xi32, #tpu.memory_space<vmem>>, vector<32x16384xi32>
    %reduce_sum3A = arith.constant dense<0> : vector<16384xi32>
    %reduce_sum3A_2 = vector.multi_reduction <add>, %get3A_1, %reduce_sum3A [0] : vector<32x16384xi32> to vector<16384xi32>
    %gt3A = arith.constant 16 : i32
    %gt3A_3 = vector.broadcast %gt3A : i32 to vector<16384xi32>
    %gt3A_4 = arith.cmpi sgt, %reduce_sum3A_2, %gt3A_3 : vector<16384xi32>
    %convert_element_type3A = arith.extui %gt3A_4 : vector<16384xi1> to vector<16384xi32>
    %swap3A = arith.constant 0 : index
    %swap3A_5 = vector.load %arg2[%swap3A] : memref<16384xi32, #tpu.memory_space<vmem>>, vector<16384xi32>
    tpu.vector_store %arg2[%swap3A], %convert_element_type3A {strides = array<i32>} : memref<16384xi32, #tpu.memory_space<vmem>>, vector<16384xi32>,
    return
  }
  func.func @transform_0(%arg0: i32) -> (i32, i32) {
    %add3A = arith.constant 24 : i32
    %add3A_0 = arith.addi %arg0, %add3A : i32
    %c0_i32 = arith.constant 0 : i32
    %c0_i32_1 = arith.constant 0 : i32
    return %c0_i32, %add3A_0 : i32, i32
  }
  func.func @transform_1(%arg0: i32) -> i32 {
    %c0_i32 = arith.constant 0 : i32
    return %arg0 : i32
  }
}

</mosaic_0001>

<sc_bundles>
// kernel: kernel.4.cloned.1.call-start
scs
__scs_entry_jumppad:
0x0: {  	(pc) =	sbr.rel $0x88, $3  }
0x1: {  	(tag) =	ssettag $0x0;
	lr =	simm.s32 $0x1  }
0x2: {  	[smem:$0x3FA0] =	sst lr;
	_ =	strace $0xD0000000  }
0x3: {  	_ = 	snop  }
0x4: {  	_ = 	snop  }
0x5: {  	_ = 	snop  }
0x6: {  	_ = 	snop  }
0x7: {  	_ = 	snop  }
__scs_overlays_trampoline_lowered:
0x8: {  	[smem:$0x3FAF] =	sst s0  }
0x9: {  	[smem:$0x3FB0] =	sst s1  }
0xa: {  	[smem:$0x3FB1] =	sst s2  }
0xb: {  	[smem:$0x3FB2] =	sst s3  }
0xc: {  	[smem:$0x3FB3] =	sst s4  }
0xd: {  	[smem:$0x3FB4] =	sst s5  }
0xe: {  	[smem:$0x3FB5] =	sst s6  }
0xf: {  	[smem:$0x3FB6] =	sst s7  }
0x10: {  	[smem:$0x3FB7] =	sst s8  }
0x11: {  	[smem:$0x3FB8] =	sst s9;
	s0 =	simm.s32 @!p0 $0x0  }
0x12: {  	s1 =	sld [smem:$0x3F9E];
	s0 =	simm.s32 @p0 $0x1  }
0x13: {  	[smem:$0x3FB9] =	sst s0;
	s0 =	simm.s32 @!p1 $0x0  }
0x14: {  	s2 =	sld [smem:$0x3F9D];
	s0 =	simm.s32 @p1 $0x1  }
0x15: {  	[smem:$0x3FBA] =	sst s0;
	s0 =	simm.s32 @!p2 $0x0  }
0x16: {  	s3 =	sld [smem:$0x3FDB];
	s0 =	simm.s32 @p2 $0x1  }
0x17: {  	s4 =	simm.s32 $0x1BF5;
	[smem:$0x3FBC] =	sst s0  }
0x18: {  	s0 =	sld [smem:$0x3F9F];
	_ =	swait.ge [sflag:s4], $0x0  }
0x19: {  	s7 =	sld [smem:$0x3FA0]  }
0x1a: {  	s8 =	sadd.s32 $0xFFFFE003, lr  }
0x1b: {  	s9 =	sadd.s32 $0xFFFFFEF7, lr;
	s5 =	simm.s32 $0xFFFFFFFF;
	p2 =	slt.u32 s8, $0xFFFFF086  }
0x1c: {  	p1 =	slt.u32 s9, $0xF7A;
	s5 =	simm.s32 @!p2 $0x0  }
0x1d: {  	s5 =	simm.s32 @p1 $0x1;
	p0 =	seq.s32 s7, s2  }
0x1e: {  	s7 =	smul.u32 @!p0 $0xF7A, s2;
	p2 =	seq.s32 @!p0 s5, $0x0  }
0x1f: {  	s9 =	smul.u32 $0xF7A, s1;
	s8 =	simm.s32 @!p0 $0x1BF5;
	p2 =	por !p2, p0  }
0x20: {  	[sflag:s8] =	ssyncset.s32 @!p0 $0xFFFFF086;
	s6 =	sadd.s32 @!p0 s3, s7;
	s7 =	simm.s32 @!p0 $0x108  }
0x21: {  	s3 =	sadd.s32 s3, s9;
	s6 =	sadd.s32 @!p0 $0x88, s6;
	s7 =	simm.s32 @p2 $0x1082  }
0x22: {  	[simem:s7], [sflag:s8] =	dma.local @!p0 [hbm:s6], $0xF7A  }
0x23: {  	s9 =	sor.u32 $0xD0000000, s2;
	s6 =	simm.s32 $0x108;
	_ =	swait.ge @!p0 [sflag:s8], $0x0  }
0x24: {  	s3 =	sadd.s32 $0x88, s3;
	s6 =	simm.s32 @!p1 $0x1082;
	[sflag:s4] =	ssyncset.s32 $0xFFFFF086  }
0x25: {  	[simem:s6], [sflag:s4] =	dma.local [hbm:s3], $0xF7A  }
0x26: {  	[smem:$0x3FA0] =	sst s1;
	(tag) =	ssettag s2;
	_ =	strace s9  }
0x27: {  	s1 =	sld [smem:$0x3FB0]  }
0x28: {  	s2 =	sld [smem:$0x3FB1]  }
0x29: {  	s4 =	sld [smem:$0x3FB3]  }
0x2a: {  	p0 =	seq.s32 s5, $0x0;
	s5 =	sld [smem:$0x3FB4]  }
0x2b: {  	s6 =	sld [smem:$0x3FB5]  }
0x2c: {  	s7 =	sld [smem:$0x3FB6]  }
0x2d: {  	s3 =	simm.s32 $0x108;
	s8 =	sld [smem:$0x3FB7]  }
0x2e: {  	s3 =	simm.s32 @!p0 $0x1082;
	s9 =	sld [smem:$0x3FB8]  }
0x2f: {  	lr =	sadd.s32 s0, s3;
	s0 =	sld [smem:$0x3FAF]  }
0x30: {  	s3 =	sld [smem:$0x3FB2]  }
0x31: {  	[smem:$0x3FBB] =	sst s10  }
0x32: {  	s10 =	sld [smem:$0x3FB9];
	_ =	sdelay $0x3  }
0x33: {  	p0 =	seq.s32 s10, $0x1;
	s10 =	sld [smem:$0x3FBB];
	_ =	sdelay $0x3  }
0x34: {  	[smem:$0x3FBB] =	sst s10  }
0x35: {  	s10 =	sld [smem:$0x3FBA];
	_ =	sdelay $0x3  }
0x36: {  	p1 =	seq.s32 s10, $0x1;
	s10 =	sld [smem:$0x3FBB];
	_ =	sdelay $0x3  }
0x37: {  	[smem:$0x3FBB] =	sst s10  }
0x38: {  	s10 =	sld [smem:$0x3FBC]  }
0x39: {  	_ = 	snop;
	(pc) =	sbr.ind lr, $3  }
0x3a: {  	_ = 	snop  }
0x3b: {  	_ = 	snop  }
0x3c: {  	p2 =	seq.s32 s10, $0x1;
	s10 =	sld [smem:$0x3FBB]  }
0x3d: {  	_ =	shalt  }
0x3e: {  	_ =	shalt  }
0x3f: {  	_ =	shalt  }
0x40: {  	_ =	shalt  }
0x41: {  	_ =	shalt  }
0x42: {  	_ =	shalt  }
0x43: {  	_ =	shalt  }
0x44: {  	_ =	shalt  }
0x45: {  	_ =	shalt  }
0x46: {  	_ =	shalt  }
0x47: {  	_ =	shalt  }
0x48: {  	_ =	shalt  }
0x49: {  	_ =	shalt  }
0x4a: {  	_ =	shalt  }
0x4b: {  	_ =	shalt  }
0x4c: {  	_ =	shalt  }
0x4d: {  	_ =	shalt  }
0x4e: {  	_ =	shalt  }
0x4f: {  	_ =	shalt  }
0x50: {  	_ =	shalt  }
0x51: {  	_ =	shalt  }
0x52: {  	_ =	shalt  }
0x53: {  	_ =	shalt  }
0x54: {  	_ =	shalt  }
0x55: {  	_ =	shalt  }
0x56: {  	_ =	shalt  }
0x57: {  	_ =	shalt  }
0x58: {  	_ =	shalt  }
0x59: {  	_ =	shalt  }
0x5a: {  	_ =	shalt  }
0x5b: {  	_ =	shalt  }
0x5c: {  	_ =	shalt  }
0x5d: {  	_ =	shalt  }
0x5e: {  	_ =	shalt  }
0x5f: {  	_ =	shalt  }
0x60: {  	_ =	shalt  }
0x61: {  	_ =	shalt  }
0x62: {  	_ =	shalt  }
0x63: {  	_ =	shalt  }
0x64: {  	_ =	shalt  }
0x65: {  	_ =	shalt  }
0x66: {  	_ =	shalt  }
0x67: {  	_ =	shalt  }
0x68: {  	_ =	shalt  }
0x69: {  	_ =	shalt  }
0x6a: {  	_ =	shalt  }
0x6b: {  	_ =	shalt  }
0x6c: {  	_ =	shalt  }
0x6d: {  	_ =	shalt  }
0x6e: {  	_ =	shalt  }
0x6f: {  	_ =	shalt  }
0x70: {  	_ =	shalt  }
0x71: {  	_ =	shalt  }
0x72: {  	_ =	shalt  }
0x73: {  	_ =	shalt  }
0x74: {  	_ =	shalt  }
0x75: {  	_ =	shalt  }
0x76: {  	_ =	shalt  }
0x77: {  	_ =	shalt  }
0x78: {  	_ =	shalt  }
0x79: {  	_ =	shalt  }
0x7a: {  	_ =	shalt  }
0x7b: {  	_ =	shalt  }
0x7c: {  	_ =	shalt  }
0x7d: {  	_ =	shalt  }
0x7e: {  	_ =	shalt  }
0x7f: {  	_ =	shalt  }
0x80: {  	_ =	shalt  }
0x81: {  	_ =	shalt  }
0x82: {  	_ =	shalt  }
0x83: {  	_ =	shalt  }
0x84: {  	_ =	shalt  }
0x85: {  	_ =	shalt  }
0x86: {  	_ =	shalt  }
0x87: {  	_ =	shalt  }
.Lfunc_end0:
.L_simem_size_0:
called_computation_lowered:
.L_overlay_start_0:
0x88: {  	s2 =	sld [smem:$0x3FD9]  }
0x89: {  	s3 =	sld [smem:$0x3FFE];
	_ =	sdelay $0x1  }
0x8a: {  	s1 =	srdreg.scid  }
0x8b: {  	s0 =	sand.u32 $0x1, s1  }
0x8c: {  	s17 =	sshll.u32 s0, $0xA;
	s2 =	sadd.s32 s3, s2  }
0x8d: {  	s2 =	sadd.s32 s2, s17  }
0x8e: {  	[smem:$0x3FC7] =	sst s2  }
0x8f: {  	_ = 	snop  }
0x90: {  	s2 =	sld [smem:$0x3FC9];
	(tm) =	ssettm $0x1  }
0x91: {  	s18 =	sld [smem:$0x3FFB];
	_ =	sdelay $0x3  }
0x92: {  	_ =	strace s18  }
0x93: {  	s3 =	sld [smem:$0x3FFC];
	_ =	sdelay $0x3  }
0x94: {  	_ =	strace s3  }
0x95: {  	s3 =	sld [smem:$0x3FFD];
	_ =	sdelay $0x3  }
0x96: {  	_ =	strace s3  }
0x97: {  	_ =	strace $0x8FFFFFFF  }
0x98: {  	s19 =	sld [smem:$0x3FDB];
	_ =	sdelay $0x1  }
0x99: {  	s4 =	simm.s32 $_scs_section_size  }
0x9a: {  	s5 =	simm.s32 $_size__tile_overlayer_lowered;
	s6 =	simm.s32 $_tile_overlayer_lowered  }
0x9b: {  	s22 =	simm.s32 $0x1BFF;
	s21 =	sshll.u32 s6, $0x1;
	s3 =	sadd.s32 s4, s19  }
0x9c: {  	s7 =	simm.s32 $0x0;
	s20 =	sshll.u32 s5, $0x1;
	s5 =	sadd.s32 s21, s3  }
0x9d: {  	[timem:s7], [sflag:s22] =	dma.local [hbm:s5], s20  }
0x9e: {  	_ =	swait.ge [sflag:s22], s20  }
0x9f: {  	s4 =	ssub.s32 $0x0, s20;
	[sflag:s22] =	ssyncset.done $0x0  }
0xa0: {  	[sflag:s22] =	ssyncadd.s32 s4;
	_ =	sdelay $0x1  }
0xa1: {  	s23 =	simm.s32 $0x1B8B  }
0xa2: {  	_ =	swait.ge [sflag:s23], $0x1  }
0xa3: {  	[sflag:s23] =	ssyncset.done $0x0  }
0xa4: {  	s25 =	simm.s32 $0x1B8E;
	s24 =	sld [smem:$0x3FFE];
	[sflag:s23] =	ssyncadd.s32 $0xFFFFFFFF  }
0xa5: {  	s26 =	simm.s32 $execute0_lowered;
	[smem:$0x3FD2] =	sst s25  }
0xa6: {  	s5 =	sshll.u32 s26, $0x1;
	_ =	strace $0x80000046;
	[dreg:$0x1] =	wrdreg $0xFFFFFFFF  }
0xa7: {  	s28 =	simm.s32 $_size_execute0_lowered;
	s3 =	sadd.s32 s3, s5;
	[dreg:$0x0] =	wrdreg $0x0  }
0xa8: {  	s5 =	sshll.u32 s28, $0x1;
	[dreg:$0x2] =	wrdreg s3  }
0xa9: {  	[dreg:$0x3] =	wrdreg s5  }
0xaa: {  	[dreg:$0x4] =	wrdreg $0xC0  }
0xab: {  	_ =	task [dreg:s7], $0x5FFFF  }
0xac: {  	[dreg:$0x1] =	wrdreg $0xFFFFFFFF  }
0xad: {  	[dreg:$0x0] =	wrdreg $0x60  }
0xae: {  	[dreg:$0x2] =	wrdreg s2  }
0xaf: {  	[dreg:$0x3] =	wrdreg s24  }
0xb0: {  	[dreg:$0x4] =	wrdreg $0x9  }
0xb1: {  	_ =	task.clear_ibuf [dreg:s7], $0x5FFFF;
	_ =	strace $0x90000046  }
0xb2: {  	s29 =	simm.s32 $0x9;
	_ =	strace $0x80000048  }
0xb3: {  	_ =	swait.ge [sflag:s29], $0x1  }
0xb4: {  	[sflag:s29] =	ssyncadd.s32 $0xFFFFFFFF  }
0xb5: {  	_ =	strace $0x90000048  }
0xb6: {  	_ =	sfence  }
0xb7: {  	s30 =	sld [smem:$0x0];
	_ =	sdelay $0x2  }
0xb8: {  	s31 =	sshll.u32 s1, $0xD;
	s1 =	sshrl.u32 s1, $0x2  }
0xb9: {  	s3 =	sand.u32 $0x4000, s31;
	s1 =	sadd.s32 s1, s30  }
0xba: {  	s0 =	sor.u32 s3, s0;
	s1 =	sshll.u32 s1, $0x11  }
0xbb: {  	s0 =	sor.u32 s1, s0  }
0xbc: {  	s0 =	sadd.s32 $0x8F2B, s0  }
0xbd: {  	[sflag:s0] =	ssyncadd.remote.s32 $0x1  }
0xbe: {  	_ =	sfence.sel $0xFFFF  }
0xbf: {  	[dreg:$0x0] =	wrdreg $0xFFFFFFFF;
	(pc) =	sbr.abs _section_cstart, $3  }
0xc0: {  	[dreg:$0x1] =	wrdreg $0xFFFFFFFF  }
0xc1: {  	_ =	task.clear_ibuf [dreg:s7], $0x2FFFF;
	_ =	strace $0x9FFFFFFF  }
0xc2: {  	(tm) =	ssettm $0x7FFFFFFF  }
0xc3: {  	_ =	shalt  }
tec
execute0_lowered:
.L_overlay_start_1:
0x0: {  	(tag) =	ssettag $0x1  }
0x1: {  	s1 =	rddreg [dreg:$0x0]  }
0x2: {  	s5 =	rddreg [dreg:$0x1]  }
0x3: {  	s3 =	srdreg.scid;
	s0 =	rddreg [dreg:$0x2];
	s2 =	simm.s32 $0x0  }
0x4: {  	s8 =	simm.s32 $0x6000;
	s9 =	simm.s32 $0x7A1400;
	s4 =	sand.u32 $0x1, s3  }
0x5: {  	s10 =	simm.s32 $0x1;
	s11 =	simm.s32 $0x18000;
	s6 =	ssub.s32 $0x2, s4  }
0x6: {  	s12 =	simm.s32 $0x0;
	[smem:$0x7FF] =	sst s2;
	s7 =	sshrl.u32 s6, $0x1  }
0x7: {  	s3 =	stileid.u32;
	s5 =	sadd.s32 $0x400, s5;
	s7 =	ssub.s32 s6, s7  }
0x8: {  	v0 =	vimm.s32 $0x0;
	_ =	strace $0x80000047;
	s6 =	sshll.u32 s3, $0x1;
	s7 =	smax.u32 s7, $0x1  }
.LBB2_1:
0x9: {  	s13 =	simm.s32 $0x0  }
.LBB2_2:
0xa: {  	s14 =	sshll.u32 s13, $0x5  }
0xb: {  	s14 =	sor.u32 s14, s6  }
0xc: {  	s14 =	sor.u32 s4, s14  }
0xd: {  	s15 =	smul.u32 $0xC00, s14;
	_ =	sdelay $0x1  }
0xe: {  	s16 =	simm.s32 $0x0;
	s15 =	sadd.s32 s1, s15  }
0xf: {  	[tilespmem:s16], [sflag:$0x1] =	stream.strided.gather [hbm4b:s15+s8], $0x18000, s9, s8, $0x38;
	[tilespmem:$0x18C00] =	vst v63  }
0x10: {  	_ =	swait.ge [sflag:s10], $0x18000  }
0x11: {  	s30 =	sand.u32 $0x70, s16;
	s16 =	sand.u32 $0x7C00, s16;
	[sflag:s10] =	ssyncset.done $0x0  }
0x12: {  	s15 =	sor.u32 s30, s16;
	[sflag:s10] =	ssyncadd.s32 $0xFFFE8000  }
0x13: {  	v1 =	vld [tilespmem:s15+$0x80]  }
0x14: {  	v2 =	vld [tilespmem:s15+$0x0]  }
0x15: {  	v3 =	vld [tilespmem:s15+$0x100]  }
0x16: {  	v4 =	vld [tilespmem:s15+$0x180]  }
0x17: {  	v5 =	vld [tilespmem:s15+$0x200]  }
0x18: {  	v6 =	vld [tilespmem:s15+$0x280]  }
0x19: {  	v1 =	vadd.s32 v2, v1;
	v2 =	vld [tilespmem:s15+$0x300]  }
0x1a: {  	v1 =	vadd.s32 v3, v1;
	v3 =	vld [tilespmem:s15+$0x380]  }
0x1b: {  	v49 =	vld [tilespmem:s15+$0x6000];
	v1 =	vadd.s32 v4, v1  }
0x1c: {  	v50 =	vld [tilespmem:s15+$0x6080];
	v1 =	vadd.s32 v5, v1  }
0x1d: {  	v51 =	vld [tilespmem:s15+$0x6100];
	v1 =	vadd.s32 v6, v1  }
0x1e: {  	v1 =	vadd.s32 v2, v1;
	v2 =	vld [tilespmem:s15+$0x6180]  }
0x1f: {  	v1 =	vadd.s32 v3, v1;
	v3 =	vld [tilespmem:s15+$0x6200]  }
0x20: {  	v52 =	vld [tilespmem:s15+$0x6280];
	v1 =	vadd.s32 v49, v1  }
0x21: {  	v53 =	vld [tilespmem:s15+$0x6300];
	v1 =	vadd.s32 v50, v1  }
0x22: {  	v54 =	vld [tilespmem:s15+$0x6380];
	v1 =	vadd.s32 v51, v1  }
0x23: {  	v1 =	vadd.s32 v2, v1;
	v2 =	vld [tilespmem:s15+$0xC000]  }
0x24: {  	v1 =	vadd.s32 v3, v1;
	v3 =	vld [tilespmem:s15+$0xC080]  }
0x25: {  	v55 =	vld [tilespmem:s15+$0xC100];
	v1 =	vadd.s32 v52, v1  }
0x26: {  	v56 =	vld [tilespmem:s15+$0xC180];
	v1 =	vadd.s32 v53, v1  }
0x27: {  	v57 =	vld [tilespmem:s15+$0xC200];
	v1 =	vadd.s32 v54, v1  }
0x28: {  	v1 =	vadd.s32 v2, v1;
	v2 =	vld [tilespmem:s15+$0xC280]  }
0x29: {  	v1 =	vadd.s32 v3, v1;
	v3 =	vld [tilespmem:s15+$0xC300]  }
0x2a: {  	v58 =	vld [tilespmem:s15+$0xC380];
	v1 =	vadd.s32 v55, v1  }
0x2b: {  	v59 =	vld [tilespmem:s15+$0x12000];
	v1 =	vadd.s32 v56, v1  }
0x2c: {  	v60 =	vld [tilespmem:s15+$0x12080];
	v1 =	vadd.s32 v57, v1  }
0x2d: {  	v1 =	vadd.s32 v2, v1;
	v2 =	vld [tilespmem:s15+$0x12100]  }
0x2e: {  	v1 =	vadd.s32 v3, v1;
	v3 =	vld [tilespmem:s15+$0x12180]  }
0x2f: {  	v61 =	vld [tilespmem:s15+$0x12200];
	v1 =	vadd.s32 v58, v1  }
0x30: {  	v62 =	vld [tilespmem:s15+$0x12280];
	v1 =	vadd.s32 v59, v1  }
0x31: {  	v63 =	vld [tilespmem:s15+$0x12300];
	v1 =	vadd.s32 v60, v1  }
0x32: {  	v1 =	vadd.s32 v2, v1;
	v2 =	vld [tilespmem:s15+$0x12380]  }
0x33: {  	v1 =	vadd.s32 v3, v1  }
0x34: {  	v1 =	vadd.s32 v61, v1  }
0x35: {  	v1 =	vadd.s32 v62, v1  }
0x36: {  	v1 =	vadd.s32 v63, v1  }
0x37: {  	v1 =	vadd.s32 v2, v1  }
0x38: {  	s31 =	simm.s32 $0x10;
	s17 =	simm.s32 $0x80;
	vm0 =	vgt.s32 v1, $0x10  }
0x39: {  	s18 =	sand.u32 $0x7C00, s17;
	s16 =	sand.u32 $0x70, s31;
	s15 =	simm.s32 $0x18000;
	v1 =	vsel vm0, $0x1, v0  }
0x3a: {  	s16 =	sor.u32 s16, s18;
	s18 =	simm.s32 $0x20;
	[tilespmem:s15+$0x0] =	vst v1  }
.LBB2_3:
0x3b: {  	p0 =	sne.s32 s18, $0xBF0;
	v1 =	vld [tilespmem:s16+$0x80]  }
0x3c: {  	v2 =	vld [tilespmem:s16+$0x0]  }
0x3d: {  	v3 =	vld [tilespmem:s16+$0x100]  }
0x3e: {  	v4 =	vld [tilespmem:s16+$0x180]  }
0x3f: {  	v5 =	vld [tilespmem:s16+$0x200]  }
0x40: {  	v6 =	vld [tilespmem:s16+$0x280]  }
0x41: {  	v1 =	vadd.s32 v2, v1;
	v2 =	vld [tilespmem:s16+$0x300]  }
0x42: {  	v1 =	vadd.s32 v3, v1;
	v3 =	vld [tilespmem:s16+$0x380]  }
0x43: {  	v1 =	vadd.s32 v4, v1;
	v4 =	vld [tilespmem:s16+$0x6000]  }
0x44: {  	v1 =	vadd.s32 v5, v1;
	v5 =	vld [tilespmem:s16+$0x6080]  }
0x45: {  	v1 =	vadd.s32 v6, v1;
	v6 =	vld [tilespmem:s16+$0x6100]  }
0x46: {  	v1 =	vadd.s32 v2, v1;
	v2 =	vld [tilespmem:s16+$0x6180]  }
0x47: {  	v1 =	vadd.s32 v3, v1;
	v3 =	vld [tilespmem:s16+$0x6200]  }
0x48: {  	v1 =	vadd.s32 v4, v1;
	v4 =	vld [tilespmem:s16+$0x6280]  }
0x49: {  	v1 =	vadd.s32 v5, v1;
	v5 =	vld [tilespmem:s16+$0x6300]  }
0x4a: {  	v1 =	vadd.s32 v6, v1;
	v6 =	vld [tilespmem:s16+$0x6380]  }
0x4b: {  	v1 =	vadd.s32 v2, v1;
	v2 =	vld [tilespmem:s16+$0xC000]  }
0x4c: {  	v1 =	vadd.s32 v3, v1;
	v3 =	vld [tilespmem:s16+$0xC080]  }
0x4d: {  	v1 =	vadd.s32 v4, v1;
	v4 =	vld [tilespmem:s16+$0xC100]  }
0x4e: {  	v1 =	vadd.s32 v5, v1;
	v5 =	vld [tilespmem:s16+$0xC180]  }
0x4f: {  	v1 =	vadd.s32 v6, v1;
	v6 =	vld [tilespmem:s16+$0xC200]  }
0x50: {  	v1 =	vadd.s32 v2, v1;
	v2 =	vld [tilespmem:s16+$0xC280]  }
0x51: {  	v1 =	vadd.s32 v3, v1;
	v3 =	vld [tilespmem:s16+$0xC300]  }
0x52: {  	v1 =	vadd.s32 v4, v1;
	v4 =	vld [tilespmem:s16+$0xC380]  }
0x53: {  	v1 =	vadd.s32 v5, v1;
	v5 =	vld [tilespmem:s16+$0x12000]  }
0x54: {  	v1 =	vadd.s32 v6, v1;
	v6 =	vld [tilespmem:s16+$0x12080]  }
0x55: {  	v1 =	vadd.s32 v2, v1;
	v2 =	vld [tilespmem:s16+$0x12100]  }
0x56: {  	v1 =	vadd.s32 v3, v1;
	v3 =	vld [tilespmem:s16+$0x12180]  }
0x57: {  	v1 =	vadd.s32 v4, v1;
	v4 =	vld [tilespmem:s16+$0x12200]  }
0x58: {  	v1 =	vadd.s32 v5, v1;
	v5 =	vld [tilespmem:s16+$0x12280]  }
0x59: {  	v1 =	vadd.s32 v6, v1;
	v6 =	vld [tilespmem:s16+$0x12300]  }
0x5a: {  	v1 =	vadd.s32 v2, v1;
	v2 =	vld [tilespmem:s16+$0x12380]  }
0x5b: {  	v1 =	vadd.s32 v3, v1  }
0x5c: {  	v1 =	vadd.s32 v4, v1  }
0x5d: {  	v1 =	vadd.s32 v5, v1  }
.Ltmp0:
0x5e: {  	v1 =	vadd.s32 v6, v1;
	(pc) =	sbr.rel @p0 .LBB2_3-.Ltmp0, $4  }
0x5f: {  	v1 =	vadd.s32 v2, v1  }
0x60: {  	s17 =	sadd.s32 $0x80, s17;
	vm0 =	vgt.s32 v1, $0x10  }
0x61: {  	s15 =	sadd.s32 $0x10, s15;
	s19 =	sand.u32 $0x7C00, s17;
	s16 =	sand.u32 $0x70, s18;
	v1 =	vsel vm0, $0x1, v0  }
0x62: {  	s18 =	sadd.s32 $0x10, s18;
	s16 =	sor.u32 s16, s19;
	[tilespmem:s15+$0x0] =	vst v1  }
0x63: {  	v1 =	vld [tilespmem:s16+$0x80]  }
0x64: {  	v2 =	vld [tilespmem:s16+$0x0]  }
0x65: {  	v3 =	vld [tilespmem:s16+$0x100]  }
0x66: {  	v4 =	vld [tilespmem:s16+$0x180]  }
0x67: {  	v5 =	vld [tilespmem:s16+$0x200]  }
0x68: {  	v6 =	vld [tilespmem:s16+$0x280]  }
0x69: {  	v1 =	vadd.s32 v2, v1;
	v2 =	vld [tilespmem:s16+$0x300]  }
0x6a: {  	v1 =	vadd.s32 v3, v1;
	v3 =	vld [tilespmem:s16+$0x380]  }
0x6b: {  	v49 =	vld [tilespmem:s16+$0x6000];
	v1 =	vadd.s32 v4, v1  }
0x6c: {  	v50 =	vld [tilespmem:s16+$0x6080];
	v1 =	vadd.s32 v5, v1  }
0x6d: {  	v51 =	vld [tilespmem:s16+$0x6100];
	v1 =	vadd.s32 v6, v1  }
0x6e: {  	v1 =	vadd.s32 v2, v1;
	v2 =	vld [tilespmem:s16+$0x6180]  }
0x6f: {  	v1 =	vadd.s32 v3, v1;
	v3 =	vld [tilespmem:s16+$0x6200]  }
0x70: {  	v52 =	vld [tilespmem:s16+$0x6280];
	v1 =	vadd.s32 v49, v1  }
0x71: {  	v53 =	vld [tilespmem:s16+$0x6300];
	v1 =	vadd.s32 v50, v1  }
0x72: {  	v54 =	vld [tilespmem:s16+$0x6380];
	v1 =	vadd.s32 v51, v1  }
0x73: {  	v1 =	vadd.s32 v2, v1;
	v2 =	vld [tilespmem:s16+$0xC000]  }
0x74: {  	v1 =	vadd.s32 v3, v1;
	v3 =	vld [tilespmem:s16+$0xC080]  }
0x75: {  	v55 =	vld [tilespmem:s16+$0xC100];
	v1 =	vadd.s32 v52, v1  }
0x76: {  	v56 =	vld [tilespmem:s16+$0xC180];
	v1 =	vadd.s32 v53, v1  }
0x77: {  	v57 =	vld [tilespmem:s16+$0xC200];
	v1 =	vadd.s32 v54, v1  }
0x78: {  	v1 =	vadd.s32 v2, v1;
	v2 =	vld [tilespmem:s16+$0xC280]  }
0x79: {  	v1 =	vadd.s32 v3, v1;
	v3 =	vld [tilespmem:s16+$0xC300]  }
0x7a: {  	v58 =	vld [tilespmem:s16+$0xC380];
	v1 =	vadd.s32 v55, v1  }
0x7b: {  	v59 =	vld [tilespmem:s16+$0x12000];
	v1 =	vadd.s32 v56, v1  }
0x7c: {  	v60 =	vld [tilespmem:s16+$0x12080];
	v1 =	vadd.s32 v57, v1  }
0x7d: {  	v1 =	vadd.s32 v2, v1;
	v2 =	vld [tilespmem:s16+$0x12100]  }
0x7e: {  	v1 =	vadd.s32 v3, v1;
	v3 =	vld [tilespmem:s16+$0x12180]  }
0x7f: {  	v61 =	vld [tilespmem:s16+$0x12200];
	v1 =	vadd.s32 v58, v1  }
0x80: {  	v62 =	vld [tilespmem:s16+$0x12280];
	v1 =	vadd.s32 v59, v1  }
0x81: {  	v63 =	vld [tilespmem:s16+$0x12300];
	v1 =	vadd.s32 v60, v1  }
0x82: {  	v1 =	vadd.s32 v2, v1;
	v2 =	vld [tilespmem:s16+$0x12380]  }
0x83: {  	v1 =	vadd.s32 v3, v1  }
0x84: {  	v1 =	vadd.s32 v61, v1  }
0x85: {  	v1 =	vadd.s32 v62, v1  }
0x86: {  	v1 =	vadd.s32 v63, v1  }
0x87: {  	v1 =	vadd.s32 v2, v1  }
0x88: {  	s14 =	smul.u32 $0x180, s14;
	s13 =	sadd.s32 $0x1, s13;
	vm0 =	vgt.s32 v1, $0x10  }
0x89: {  	s15 =	sadd.s32 $0x10, s15;
	p0 =	sne.s32 s13, $0x4;
	v1 =	vsel vm0, $0x1, v0  }
.Ltmp1:
0x8a: {  	s14 =	sadd.s32 s5, s14;
	[tilespmem:s15+$0x0] =	vst v1;
	(pc) =	sbr.rel @p0 .LBB2_2-.Ltmp1, $4  }
0x8b: {  	[hbm4b:s14+s2] =	stream.linear.scatter [tilespmem:s11], [sflag:$0x1], $0xC00, $0x38;
	[tilespmem:$0x18C00] =	vst v63  }
0x8c: {  	_ =	swait.ge [sflag:s10], $0xC00  }
0x8d: {  	[sflag:s10] =	ssyncset.done $0x0  }
0x8e: {  	[sflag:s10] =	ssyncadd.s32 $0xFFFFF400  }
0x8f: {  	s12 =	sadd.s32 $0x1, s12  }
0x90: {  	p0 =	sne.s32 s12, s7  }
.Ltmp2:
0x91: {  	_ = 	snop;
	(pc) =	sbr.rel @p0 .LBB2_1-.Ltmp2, $1  }
0x92: {  	_ =	sdelay $0x3  }
0x93: {  	_ =	sfence.sel $0x180000  }
0x94: {  	[bflag:$0x0] =	sbarrier.arrive $0xFFFF  }
0x95: {  	p0 =	sne.s32 s3, $0x0;
	_ =	strace $0x90000047  }
0x96: {  	s0 =	sadd.s32 @!p0 $0x100000, s0;
	[bflag:$0x2] =	sbarrier.arrive $0xFFFF  }
0x97: {  	[sflag:s0] =	ssyncadd.tile.s32 @!p0 $0x1;
	_ =	shalt  }
.Lfunc_end2:
_tile_overlayer_lowered:
.L_overlay_start_2:
0x98: {  	(tag) =	ssettag $0x2  }
0x99: {  	s0 =	rddreg [dreg:$0x0];
	s2 =	stileid.u32  }
0x9a: {  	s1 =	rddreg [dreg:$0x1];
	p0 =	sne.s32 s2, $0x0  }
0x9b: {  	s3 =	rddreg [dreg:$0x2];
	[bflag:$0x3] =	sbarrier.arrive $0xFFFF;
	s2 =	simm.s32 @!p0 $0x1C01  }
0x9c: {  	[timem:s3], [sflag:s2] =	dma.local @!p0 [hbm:s0], s1  }
0x9d: {  	s0 =	simm.s32 @!p0 $0x1  }
0x9e: {  	_ =	swait.ge @!p0 [sflag:s0], s1  }
0x9f: {  	s1 =	ssub.s32 @!p0 $0x0, s1;
	[sflag:s0] =	ssyncset.done @!p0 $0x0  }
0xa0: {  	[sflag:s0] =	ssyncadd.s32 @!p0 s1  }
0xa1: {  	[bflag:$0x3] =	sbarrier.arrive $0xFFFF  }
0xa2: {  	_ =	shalt  }

</sc_bundles>
